<compile_context>
chip_gen: v7x
topology: tpu7x:2x2x1
jax: 0.10.2.dev20260603
libtpu: 0.0.44.dev20260713+nightly
codegen_flags: <defaults>
</compile_context>

<pallas_src>
import functools

import jax
import jax.numpy as jnp
from jax import lax
from jax.experimental import pallas as pl
from jax.experimental.pallas import tpu as pltpu
from jax.experimental.pallas import tpu_sc as plsc

B = 16384
C = 10
NB = 16
RB = B // NB
NW = 32
RW = B // NW
FW = RW * C



_mesh = plsc.VectorSubcoreMesh(core_axis_name="c", subcore_axis_name="s")


@functools.partial(
    pl.kernel,
    out_type=jax.ShapeDtypeStruct((B * C,), jnp.float32),
    mesh=_mesh,
    scratch_types=[
        pltpu.VMEM((RW,), jnp.int32),
        pltpu.VMEM((FW,), jnp.float32),
    ],
    compiler_params=pltpu.CompilerParams(needs_layout_passes=False),
)
def _ohe_sc(gt_hbm, out_hbm, gbuf, obuf):
    wid = lax.axis_index("s") * 2 + lax.axis_index("c")
    base = wid * RW
    pltpu.sync_copy(gt_hbm.at[pl.ds(base, RW)], gbuf)

    zeros = jnp.zeros((16,), jnp.float32)

    def zstep(k, carry):
        for u in range(8):
            obuf[pl.ds(k * 128 + u * 16, 16)] = zeros
        return carry

    lax.fori_loop(0, FW // 128, zstep, 0)

    ones = zeros + 1.0

    def sstep(j, carry):
        for u in range(8):
            rows = lax.iota(jnp.int32, 16) + (j * 8 + u) * 16
            g = gbuf[pl.ds((j * 8 + u) * 16, 16)]
            plsc.store_scatter(obuf, [rows * C + g], ones)
        return carry

    lax.fori_loop(0, RW // 128, sstep, 0)
    pltpu.sync_copy(obuf, out_hbm.at[pl.ds(base * C, FW)])




def _softmax_body(x_hbm, soft_hbm, ebuf, xbuf, sbuf, xsem, ssem):
    def xcopy(b, slot):
        return pltpu.make_async_copy(
            x_hbm.at[pl.ds(b * RB, RB), :], xbuf.at[slot], xsem.at[slot])

    def scopy(b, slot):
        return pltpu.make_async_copy(
            sbuf.at[slot], soft_hbm.at[pl.ds(b * RB, RB), :], ssem.at[slot])

    xcopy(0, 0).start()
    xcopy(1, 1).start()

    def pass1(b, acc):
        slot = jax.lax.rem(b, 2)
        xcopy(b, slot).wait()
        e = jnp.exp(xbuf[slot])
        ebuf[pl.ds(b * RB, RB), :] = e

        @pl.when(b + 2 < NB)
        def _prefetch():
            xcopy(b + 2, slot).start()

        return acc + jnp.sum(e)

    total = jax.lax.fori_loop(0, NB, pass1, 0.0)
    inv = 1.0 / total

    def pass2(b, carry):
        slot = jax.lax.rem(b, 2)

        @pl.when(b >= 2)
        def _drain():
            scopy(b - 2, slot).wait()

        sbuf[slot] = ebuf[pl.ds(b * RB, RB), :] * inv
        scopy(b, slot).start()
        return carry

    jax.lax.fori_loop(0, NB, pass2, 0)
    scopy(NB - 2, 0).wait()
    scopy(NB - 1, 1).wait()


def _softmax_tc(x):
    return pl.pallas_call(
        _softmax_body,
        in_specs=[pl.BlockSpec(memory_space=pltpu.MemorySpace.HBM)],
        out_specs=pl.BlockSpec(memory_space=pltpu.MemorySpace.HBM),
        out_shape=jax.ShapeDtypeStruct((B, C), jnp.float32),
        scratch_shapes=[
            pltpu.VMEM((B, C), jnp.float32),
            pltpu.VMEM((2, RB, C), jnp.float32),
            pltpu.VMEM((2, RB, C), jnp.float32),
            pltpu.SemaphoreType.DMA((2,)),
            pltpu.SemaphoreType.DMA((2,)),
        ],
    )(x)


def kernel(inference, ground_truth):
    ohe_flat = _ohe_sc(ground_truth.astype(jnp.int32))
    soft = _softmax_tc(inference)
    return (soft, ohe_flat.reshape(B, C))

# --- scband reference (transcript-rebuilt; emitter-appended) ---
"""Pipeline reference for scband-softmax-3753801417520 (READ-ONLY COPY).

The authoritative reference and input builder live on the scoring server;
editing this copy changes nothing except your own understanding.
"""

import jax, jax.numpy as jnp
import numpy as np

NUM_CLASSES = 10

def setup_inputs(seed: int = 0) -> dict:
    key = jax.random.key(seed)
    k1, k2 = jax.random.split(key)
    inference = jax.random.normal(k1, (16384, NUM_CLASSES), dtype=jnp.float32)
    ground_truth = jax.random.randint(k2, (16384,), 0, NUM_CLASSES, dtype=jnp.int64 if jax.config.read('jax_enable_x64') else jnp.int32)
    return {"inference": inference, "ground_truth": ground_truth}

def reference(inference, ground_truth):
    # NOTE: faithful to original - softmax denominator is a GLOBAL sum over the
    # whole tensor (torch .sum() with no dim), not a per-row sum.
    inference_softmax = jnp.exp(inference) / jnp.exp(inference).sum()
    B = inference.shape[0]
    ground_truth_ohe = jnp.zeros((B, NUM_CLASSES), dtype=jnp.float32).at[jnp.arange(B), ground_truth].set(1.0)
    # Original forward has no return statement; we return the two computed
    # tensors so the output is observable.
    return (inference_softmax, ground_truth_ohe)

if __name__ == "__main__":
    import jax
    _d = setup_inputs()
    print(jax.jit(kernel)(*tuple(_d.values())))

</pallas_src>

<mosaic_0001>
#map = affine_map<(d0, d1) -> (0)>
module attributes {stable_mosaic.version = 14 : i64} {
  func.func @_ohe_sc(%arg0: i32, %arg1: i32, %arg2: memref<16384xi32, #tpu.memory_space<hbm>>, %arg3: memref<163840xf32, #tpu.memory_space<hbm>>, %arg4: memref<512xi32, #tpu.memory_space<vmem>>, %arg5: memref<5120xf32, #tpu.memory_space<vmem>>) attributes {dimension_semantics = [#tpu.dimension_semantics<core_parallel>, #tpu.dimension_semantics<subcore_parallel>], iteration_bounds = array<i64: 2, 16>, scalar_prefetch = 0 : i64, scratch_operands = 2 : i64, tpu.core_type = #tpu.core_type<sc_vector_subcore>, window_params = [{transform_indices = #map}, {transform_indices = #map}]} {
    %mul3A = arith.constant 2 : i32
    %mul3A_0 = arith.muli %arg1, %mul3A : i32
    %add3A = arith.addi %mul3A_0, %arg0 : i32
    %mul3A_1 = arith.constant 512 : i32
    %mul3A_2 = arith.muli %add3A, %mul3A_1 : i32
    "tpu.region"() ({
      %run_scoped3A = tpu.sem_alloc : memref<!tpu.dma_semaphore, #tpu.memory_space<semaphore_mem>>
      %dma_start3A = tpu.memref_slice %arg2[%mul3A_2] : memref<16384xi32, #tpu.memory_space<hbm>> -> memref<512xi32, #tpu.memory_space<hbm>>
      %dma_start3A_20 = tpu.memref_slice %arg2[%mul3A_2] : memref<16384xi32, #tpu.memory_space<hbm>> -> memref<512xi32, #tpu.memory_space<hbm>>
      tpu.enqueue_dma source(%dma_start3A_20 : memref<512xi32, #tpu.memory_space<hbm>>) target(%arg4 : memref<512xi32, #tpu.memory_space<vmem>>) target_semaphore(%run_scoped3A : memref<!tpu.dma_semaphore, #tpu.memory_space<semaphore_mem>>)
      %dma_wait3A = tpu.memref_slice %arg2[%mul3A_2] : memref<16384xi32, #tpu.memory_space<hbm>> -> memref<512xi32, #tpu.memory_space<hbm>>
      %dma_wait3A_21 = tpu.memref_slice %arg2[%mul3A_2] : memref<16384xi32, #tpu.memory_space<hbm>> -> memref<512xi32, #tpu.memory_space<hbm>>
      tpu.wait_dma2 semaphore(%run_scoped3A : memref<!tpu.dma_semaphore, #tpu.memory_space<semaphore_mem>>) src(%dma_wait3A_21 : memref<512xi32, #tpu.memory_space<hbm>>) dst(%arg4 : memref<512xi32, #tpu.memory_space<vmem>>)
      tpu.yield
    }) : () -> ()
    %broadcast_in_dim3A = arith.constant 0.000000e+00 : f32
    %broadcast_in_dim3A_3 = vector.broadcast %broadcast_in_dim3A : f32 to vector<16xf32>
    %scan3A = arith.constant 0 : i32
    %scan3A_4 = arith.constant 0 : i32
    %scan3A_5 = arith.constant 40 : i32
    %scan3A_6 = arith.addi %scan3A_4, %scan3A_5 : i32
    %scan3A_7 = arith.constant 1 : i32
    scf.for %scan3A_20 = %scan3A_4 to %scan3A_6 step %scan3A_7  : i32 {
      %mul3A_21 = arith.constant 128 : i32
      %mul3A_22 = arith.muli %scan3A_20, %mul3A_21 : i32
      %add3A_23 = arith.constant 0 : i32
      %add3A_24 = arith.addi %mul3A_22, %add3A_23 : i32
      %swap3A = arith.index_cast %add3A_24 : i32 to index
      %swap3A_25 = tpu.vector_load %arg5[%swap3A] {strides = array<i32>} : memref<5120xf32, #tpu.memory_space<vmem>>, vector<16xf32>,
      tpu.vector_store %arg5[%swap3A], %broadcast_in_dim3A_3 {strides = array<i32>} : memref<5120xf32, #tpu.memory_space<vmem>>, vector<16xf32>,
      %mul3A_26 = arith.constant 128 : i32
      %mul3A_27 = arith.muli %scan3A_20, %mul3A_26 : i32
      %add3A_28 = arith.constant 16 : i32
      %add3A_29 = arith.addi %mul3A_27, %add3A_28 : i32
      %swap3A_30 = arith.index_cast %add3A_29 : i32 to index
      %swap3A_31 = tpu.vector_load %arg5[%swap3A_30] {strides = array<i32>} : memref<5120xf32, #tpu.memory_space<vmem>>, vector<16xf32>,
      tpu.vector_store %arg5[%swap3A_30], %broadcast_in_dim3A_3 {strides = array<i32>} : memref<5120xf32, #tpu.memory_space<vmem>>, vector<16xf32>,
      %mul3A_32 = arith.constant 128 : i32
      %mul3A_33 = arith.muli %scan3A_20, %mul3A_32 : i32
      %add3A_34 = arith.constant 32 : i32
      %add3A_35 = arith.addi %mul3A_33, %add3A_34 : i32
      %swap3A_36 = arith.index_cast %add3A_35 : i32 to index
      %swap3A_37 = tpu.vector_load %arg5[%swap3A_36] {strides = array<i32>} : memref<5120xf32, #tpu.memory_space<vmem>>, vector<16xf32>,
      tpu.vector_store %arg5[%swap3A_36], %broadcast_in_dim3A_3 {strides = array<i32>} : memref<5120xf32, #tpu.memory_space<vmem>>, vector<16xf32>,
      %mul3A_38 = arith.constant 128 : i32
      %mul3A_39 = arith.muli %scan3A_20, %mul3A_38 : i32
      %add3A_40 = arith.constant 48 : i32
      %add3A_41 = arith.addi %mul3A_39, %add3A_40 : i32
      %swap3A_42 = arith.index_cast %add3A_41 : i32 to index
      %swap3A_43 = tpu.vector_load %arg5[%swap3A_42] {strides = array<i32>} : memref<5120xf32, #tpu.memory_space<vmem>>, vector<16xf32>,
      tpu.vector_store %arg5[%swap3A_42], %broadcast_in_dim3A_3 {strides = array<i32>} : memref<5120xf32, #tpu.memory_space<vmem>>, vector<16xf32>,
      %mul3A_44 = arith.constant 128 : i32
      %mul3A_45 = arith.muli %scan3A_20, %mul3A_44 : i32
      %add3A_46 = arith.constant 64 : i32
      %add3A_47 = arith.addi %mul3A_45, %add3A_46 : i32
      %swap3A_48 = arith.index_cast %add3A_47 : i32 to index
      %swap3A_49 = tpu.vector_load %arg5[%swap3A_48] {strides = array<i32>} : memref<5120xf32, #tpu.memory_space<vmem>>, vector<16xf32>,
      tpu.vector_store %arg5[%swap3A_48], %broadcast_in_dim3A_3 {strides = array<i32>} : memref<5120xf32, #tpu.memory_space<vmem>>, vector<16xf32>,
      %mul3A_50 = arith.constant 128 : i32
      %mul3A_51 = arith.muli %scan3A_20, %mul3A_50 : i32
      %add3A_52 = arith.constant 80 : i32
      %add3A_53 = arith.addi %mul3A_51, %add3A_52 : i32
      %swap3A_54 = arith.index_cast %add3A_53 : i32 to index
      %swap3A_55 = tpu.vector_load %arg5[%swap3A_54] {strides = array<i32>} : memref<5120xf32, #tpu.memory_space<vmem>>, vector<16xf32>,
      tpu.vector_store %arg5[%swap3A_54], %broadcast_in_dim3A_3 {strides = array<i32>} : memref<5120xf32, #tpu.memory_space<vmem>>, vector<16xf32>,
      %mul3A_56 = arith.constant 128 : i32
      %mul3A_57 = arith.muli %scan3A_20, %mul3A_56 : i32
      %add3A_58 = arith.constant 96 : i32
      %add3A_59 = arith.addi %mul3A_57, %add3A_58 : i32
      %swap3A_60 = arith.index_cast %add3A_59 : i32 to index
      %swap3A_61 = tpu.vector_load %arg5[%swap3A_60] {strides = array<i32>} : memref<5120xf32, #tpu.memory_space<vmem>>, vector<16xf32>,
      tpu.vector_store %arg5[%swap3A_60], %broadcast_in_dim3A_3 {strides = array<i32>} : memref<5120xf32, #tpu.memory_space<vmem>>, vector<16xf32>,
      %mul3A_62 = arith.constant 128 : i32
      %mul3A_63 = arith.muli %scan3A_20, %mul3A_62 : i32
      %add3A_64 = arith.constant 112 : i32
      %add3A_65 = arith.addi %mul3A_63, %add3A_64 : i32
      %swap3A_66 = arith.index_cast %add3A_65 : i32 to index
      %swap3A_67 = tpu.vector_load %arg5[%swap3A_66] {strides = array<i32>} : memref<5120xf32, #tpu.memory_space<vmem>>, vector<16xf32>,
      tpu.vector_store %arg5[%swap3A_66], %broadcast_in_dim3A_3 {strides = array<i32>} : memref<5120xf32, #tpu.memory_space<vmem>>, vector<16xf32>,
    }
    %scan3A_8 = arith.constant 40 : i32
    %add3A_9 = arith.constant 1.000000e+00 : f32
    %add3A_10 = vector.broadcast %add3A_9 : f32 to vector<16xf32>
    %add3A_11 = arith.addf %broadcast_in_dim3A_3, %add3A_10 : vector<16xf32>
    %scan3A_12 = arith.constant 0 : i32
    %scan3A_13 = arith.constant 0 : i32
    %scan3A_14 = arith.constant 4 : i32
    %scan3A_15 = arith.addi %scan3A_13, %scan3A_14 : i32
    %scan3A_16 = arith.constant 1 : i32
    scf.for %scan3A_20 = %scan3A_13 to %scan3A_15 step %scan3A_16  : i32 {
      %iota3A = tpu.iota {dimensions = array<i32: 0>} : vector<16xi32>
      %mul3A_21 = arith.constant 8 : i32
      %mul3A_22 = arith.muli %scan3A_20, %mul3A_21 : i32
      %add3A_23 = arith.constant 0 : i32
      %add3A_24 = arith.addi %mul3A_22, %add3A_23 : i32
      %mul3A_25 = arith.constant 16 : i32
      %mul3A_26 = arith.muli %add3A_24, %mul3A_25 : i32
      %add3A_27 = vector.broadcast %mul3A_26 : i32 to vector<16xi32>
      %add3A_28 = arith.addi %iota3A, %add3A_27 : vector<16xi32>
      %mul3A_29 = arith.constant 8 : i32
      %mul3A_30 = arith.muli %scan3A_20, %mul3A_29 : i32
      %add3A_31 = arith.constant 0 : i32
      %add3A_32 = arith.addi %mul3A_30, %add3A_31 : i32
      %mul3A_33 = arith.constant 16 : i32
      %mul3A_34 = arith.muli %add3A_32, %mul3A_33 : i32
      %get3A = arith.index_cast %mul3A_34 : i32 to index
      %get3A_35 = tpu.vector_load %arg4[%get3A] {strides = array<i32>} : memref<512xi32, #tpu.memory_space<vmem>>, vector<16xi32>,
      %mul3A_36 = arith.constant 10 : i32
      %mul3A_37 = vector.broadcast %mul3A_36 : i32 to vector<16xi32>
      %mul3A_38 = arith.muli %add3A_28, %mul3A_37 : vector<16xi32>
      %add3A_39 = arith.addi %mul3A_38, %get3A_35 : vector<16xi32>
      tpu.vector_store_idx %arg5[%add3A_39], %add3A_11 : memref<5120xf32, #tpu.memory_space<vmem>>[vector<16xi32>], vector<16xf32>,
      %iota3A_40 = tpu.iota {dimensions = array<i32: 0>} : vector<16xi32>
      %mul3A_41 = arith.constant 8 : i32
      %mul3A_42 = arith.muli %scan3A_20, %mul3A_41 : i32
      %add3A_43 = arith.constant 1 : i32
      %add3A_44 = arith.addi %mul3A_42, %add3A_43 : i32
      %mul3A_45 = arith.constant 16 : i32
      %mul3A_46 = arith.muli %add3A_44, %mul3A_45 : i32
      %add3A_47 = vector.broadcast %mul3A_46 : i32 to vector<16xi32>
      %add3A_48 = arith.addi %iota3A_40, %add3A_47 : vector<16xi32>
      %mul3A_49 = arith.constant 8 : i32
      %mul3A_50 = arith.muli %scan3A_20, %mul3A_49 : i32
      %add3A_51 = arith.constant 1 : i32
      %add3A_52 = arith.addi %mul3A_50, %add3A_51 : i32
      %mul3A_53 = arith.constant 16 : i32
      %mul3A_54 = arith.muli %add3A_52, %mul3A_53 : i32
      %get3A_55 = arith.index_cast %mul3A_54 : i32 to index
      %get3A_56 = tpu.vector_load %arg4[%get3A_55] {strides = array<i32>} : memref<512xi32, #tpu.memory_space<vmem>>, vector<16xi32>,
      %mul3A_57 = arith.constant 10 : i32
      %mul3A_58 = vector.broadcast %mul3A_57 : i32 to vector<16xi32>
      %mul3A_59 = arith.muli %add3A_48, %mul3A_58 : vector<16xi32>
      %add3A_60 = arith.addi %mul3A_59, %get3A_56 : vector<16xi32>
      tpu.vector_store_idx %arg5[%add3A_60], %add3A_11 : memref<5120xf32, #tpu.memory_space<vmem>>[vector<16xi32>], vector<16xf32>,
      %iota3A_61 = tpu.iota {dimensions = array<i32: 0>} : vector<16xi32>
      %mul3A_62 = arith.constant 8 : i32
      %mul3A_63 = arith.muli %scan3A_20, %mul3A_62 : i32
      %add3A_64 = arith.constant 2 : i32
      %add3A_65 = arith.addi %mul3A_63, %add3A_64 : i32
      %mul3A_66 = arith.constant 16 : i32
      %mul3A_67 = arith.muli %add3A_65, %mul3A_66 : i32
      %add3A_68 = vector.broadcast %mul3A_67 : i32 to vector<16xi32>
      %add3A_69 = arith.addi %iota3A_61, %add3A_68 : vector<16xi32>
      %mul3A_70 = arith.constant 8 : i32
      %mul3A_71 = arith.muli %scan3A_20, %mul3A_70 : i32
      %add3A_72 = arith.constant 2 : i32
      %add3A_73 = arith.addi %mul3A_71, %add3A_72 : i32
      %mul3A_74 = arith.constant 16 : i32
      %mul3A_75 = arith.muli %add3A_73, %mul3A_74 : i32
      %get3A_76 = arith.index_cast %mul3A_75 : i32 to index
      %get3A_77 = tpu.vector_load %arg4[%get3A_76] {strides = array<i32>} : memref<512xi32, #tpu.memory_space<vmem>>, vector<16xi32>,
      %mul3A_78 = arith.constant 10 : i32
      %mul3A_79 = vector.broadcast %mul3A_78 : i32 to vector<16xi32>
      %mul3A_80 = arith.muli %add3A_69, %mul3A_79 : vector<16xi32>
      %add3A_81 = arith.addi %mul3A_80, %get3A_77 : vector<16xi32>
      tpu.vector_store_idx %arg5[%add3A_81], %add3A_11 : memref<5120xf32, #tpu.memory_space<vmem>>[vector<16xi32>], vector<16xf32>,
      %iota3A_82 = tpu.iota {dimensions = array<i32: 0>} : vector<16xi32>
      %mul3A_83 = arith.constant 8 : i32
      %mul3A_84 = arith.muli %scan3A_20, %mul3A_83 : i32
      %add3A_85 = arith.constant 3 : i32
      %add3A_86 = arith.addi %mul3A_84, %add3A_85 : i32
      %mul3A_87 = arith.constant 16 : i32
      %mul3A_88 = arith.muli %add3A_86, %mul3A_87 : i32
      %add3A_89 = vector.broadcast %mul3A_88 : i32 to vector<16xi32>
      %add3A_90 = arith.addi %iota3A_82, %add3A_89 : vector<16xi32>
      %mul3A_91 = arith.constant 8 : i32
      %mul3A_92 = arith.muli %scan3A_20, %mul3A_91 : i32
      %add3A_93 = arith.constant 3 : i32
      %add3A_94 = arith.addi %mul3A_92, %add3A_93 : i32
      %mul3A_95 = arith.constant 16 : i32
      %mul3A_96 = arith.muli %add3A_94, %mul3A_95 : i32
      %get3A_97 = arith.index_cast %mul3A_96 : i32 to index
      %get3A_98 = tpu.vector_load %arg4[%get3A_97] {strides = array<i32>} : memref<512xi32, #tpu.memory_space<vmem>>, vector<16xi32>,
      %mul3A_99 = arith.constant 10 : i32
      %mul3A_100 = vector.broadcast %mul3A_99 : i32 to vector<16xi32>
      %mul3A_101 = arith.muli %add3A_90, %mul3A_100 : vector<16xi32>
      %add3A_102 = arith.addi %mul3A_101, %get3A_98 : vector<16xi32>
      tpu.vector_store_idx %arg5[%add3A_102], %add3A_11 : memref<5120xf32, #tpu.memory_space<vmem>>[vector<16xi32>], vector<16xf32>,
      %iota3A_103 = tpu.iota {dimensions = array<i32: 0>} : vector<16xi32>
      %mul3A_104 = arith.constant 8 : i32
      %mul3A_105 = arith.muli %scan3A_20, %mul3A_104 : i32
      %add3A_106 = arith.constant 4 : i32
      %add3A_107 = arith.addi %mul3A_105, %add3A_106 : i32
      %mul3A_108 = arith.constant 16 : i32
      %mul3A_109 = arith.muli %add3A_107, %mul3A_108 : i32
      %add3A_110 = vector.broadcast %mul3A_109 : i32 to vector<16xi32>
      %add3A_111 = arith.addi %iota3A_103, %add3A_110 : vector<16xi32>
      %mul3A_112 = arith.constant 8 : i32
      %mul3A_113 = arith.muli %scan3A_20, %mul3A_112 : i32
      %add3A_114 = arith.constant 4 : i32
      %add3A_115 = arith.addi %mul3A_113, %add3A_114 : i32
      %mul3A_116 = arith.constant 16 : i32
      %mul3A_117 = arith.muli %add3A_115, %mul3A_116 : i32
      %get3A_118 = arith.index_cast %mul3A_117 : i32 to index
      %get3A_119 = tpu.vector_load %arg4[%get3A_118] {strides = array<i32>} : memref<512xi32, #tpu.memory_space<vmem>>, vector<16xi32>,
      %mul3A_120 = arith.constant 10 : i32
      %mul3A_121 = vector.broadcast %mul3A_120 : i32 to vector<16xi32>
      %mul3A_122 = arith.muli %add3A_111, %mul3A_121 : vector<16xi32>
      %add3A_123 = arith.addi %mul3A_122, %get3A_119 : vector<16xi32>
      tpu.vector_store_idx %arg5[%add3A_123], %add3A_11 : memref<5120xf32, #tpu.memory_space<vmem>>[vector<16xi32>], vector<16xf32>,
      %iota3A_124 = tpu.iota {dimensions = array<i32: 0>} : vector<16xi32>
      %mul3A_125 = arith.constant 8 : i32
      %mul3A_126 = arith.muli %scan3A_20, %mul3A_125 : i32
      %add3A_127 = arith.constant 5 : i32
      %add3A_128 = arith.addi %mul3A_126, %add3A_127 : i32
      %mul3A_129 = arith.constant 16 : i32
      %mul3A_130 = arith.muli %add3A_128, %mul3A_129 : i32
      %add3A_131 = vector.broadcast %mul3A_130 : i32 to vector<16xi32>
      %add3A_132 = arith.addi %iota3A_124, %add3A_131 : vector<16xi32>
      %mul3A_133 = arith.constant 8 : i32
      %mul3A_134 = arith.muli %scan3A_20, %mul3A_133 : i32
      %add3A_135 = arith.constant 5 : i32
      %add3A_136 = arith.addi %mul3A_134, %add3A_135 : i32
      %mul3A_137 = arith.constant 16 : i32
      %mul3A_138 = arith.muli %add3A_136, %mul3A_137 : i32
      %get3A_139 = arith.index_cast %mul3A_138 : i32 to index
      %get3A_140 = tpu.vector_load %arg4[%get3A_139] {strides = array<i32>} : memref<512xi32, #tpu.memory_space<vmem>>, vector<16xi32>,
      %mul3A_141 = arith.constant 10 : i32
      %mul3A_142 = vector.broadcast %mul3A_141 : i32 to vector<16xi32>
      %mul3A_143 = arith.muli %add3A_132, %mul3A_142 : vector<16xi32>
      %add3A_144 = arith.addi %mul3A_143, %get3A_140 : vector<16xi32>
      tpu.vector_store_idx %arg5[%add3A_144], %add3A_11 : memref<5120xf32, #tpu.memory_space<vmem>>[vector<16xi32>], vector<16xf32>,
      %iota3A_145 = tpu.iota {dimensions = array<i32: 0>} : vector<16xi32>
      %mul3A_146 = arith.constant 8 : i32
      %mul3A_147 = arith.muli %scan3A_20, %mul3A_146 : i32
      %add3A_148 = arith.constant 6 : i32
      %add3A_149 = arith.addi %mul3A_147, %add3A_148 : i32
      %mul3A_150 = arith.constant 16 : i32
      %mul3A_151 = arith.muli %add3A_149, %mul3A_150 : i32
      %add3A_152 = vector.broadcast %mul3A_151 : i32 to vector<16xi32>
      %add3A_153 = arith.addi %iota3A_145, %add3A_152 : vector<16xi32>
      %mul3A_154 = arith.constant 8 : i32
      %mul3A_155 = arith.muli %scan3A_20, %mul3A_154 : i32
      %add3A_156 = arith.constant 6 : i32
      %add3A_157 = arith.addi %mul3A_155, %add3A_156 : i32
      %mul3A_158 = arith.constant 16 : i32
      %mul3A_159 = arith.muli %add3A_157, %mul3A_158 : i32
      %get3A_160 = arith.index_cast %mul3A_159 : i32 to index
      %get3A_161 = tpu.vector_load %arg4[%get3A_160] {strides = array<i32>} : memref<512xi32, #tpu.memory_space<vmem>>, vector<16xi32>,
      %mul3A_162 = arith.constant 10 : i32
      %mul3A_163 = vector.broadcast %mul3A_162 : i32 to vector<16xi32>
      %mul3A_164 = arith.muli %add3A_153, %mul3A_163 : vector<16xi32>
      %add3A_165 = arith.addi %mul3A_164, %get3A_161 : vector<16xi32>
      tpu.vector_store_idx %arg5[%add3A_165], %add3A_11 : memref<5120xf32, #tpu.memory_space<vmem>>[vector<16xi32>], vector<16xf32>,
      %iota3A_166 = tpu.iota {dimensions = array<i32: 0>} : vector<16xi32>
      %mul3A_167 = arith.constant 8 : i32
      %mul3A_168 = arith.muli %scan3A_20, %mul3A_167 : i32
      %add3A_169 = arith.constant 7 : i32
      %add3A_170 = arith.addi %mul3A_168, %add3A_169 : i32
      %mul3A_171 = arith.constant 16 : i32
      %mul3A_172 = arith.muli %add3A_170, %mul3A_171 : i32
      %add3A_173 = vector.broadcast %mul3A_172 : i32 to vector<16xi32>
      %add3A_174 = arith.addi %iota3A_166, %add3A_173 : vector<16xi32>
      %mul3A_175 = arith.constant 8 : i32
      %mul3A_176 = arith.muli %scan3A_20, %mul3A_175 : i32
      %add3A_177 = arith.constant 7 : i32
      %add3A_178 = arith.addi %mul3A_176, %add3A_177 : i32
      %mul3A_179 = arith.constant 16 : i32
      %mul3A_180 = arith.muli %add3A_178, %mul3A_179 : i32
      %get3A_181 = arith.index_cast %mul3A_180 : i32 to index
      %get3A_182 = tpu.vector_load %arg4[%get3A_181] {strides = array<i32>} : memref<512xi32, #tpu.memory_space<vmem>>, vector<16xi32>,
      %mul3A_183 = arith.constant 10 : i32
      %mul3A_184 = vector.broadcast %mul3A_183 : i32 to vector<16xi32>
      %mul3A_185 = arith.muli %add3A_174, %mul3A_184 : vector<16xi32>
      %add3A_186 = arith.addi %mul3A_185, %get3A_182 : vector<16xi32>
      tpu.vector_store_idx %arg5[%add3A_186], %add3A_11 : memref<5120xf32, #tpu.memory_space<vmem>>[vector<16xi32>], vector<16xf32>,
    }
    %scan3A_17 = arith.constant 4 : i32
    %mul3A_18 = arith.constant 10 : i32
    %mul3A_19 = arith.muli %mul3A_2, %mul3A_18 : i32
    "tpu.region"() ({
      %run_scoped3A = tpu.sem_alloc : memref<!tpu.dma_semaphore, #tpu.memory_space<semaphore_mem>>
      %dma_start3A = tpu.memref_slice %arg3[%mul3A_19] : memref<163840xf32, #tpu.memory_space<hbm>> -> memref<5120xf32, #tpu.memory_space<hbm>>
      %dma_start3A_20 = tpu.memref_slice %arg3[%mul3A_19] : memref<163840xf32, #tpu.memory_space<hbm>> -> memref<5120xf32, #tpu.memory_space<hbm>>
      tpu.enqueue_dma source(%arg5 : memref<5120xf32, #tpu.memory_space<vmem>>) target(%dma_start3A_20 : memref<5120xf32, #tpu.memory_space<hbm>>) target_semaphore(%run_scoped3A : memref<!tpu.dma_semaphore, #tpu.memory_space<semaphore_mem>>)
      %dma_wait3A = tpu.memref_slice %arg3[%mul3A_19] : memref<163840xf32, #tpu.memory_space<hbm>> -> memref<5120xf32, #tpu.memory_space<hbm>>
      %dma_wait3A_21 = tpu.memref_slice %arg3[%mul3A_19] : memref<163840xf32, #tpu.memory_space<hbm>> -> memref<5120xf32, #tpu.memory_space<hbm>>
      tpu.wait_dma2 semaphore(%run_scoped3A : memref<!tpu.dma_semaphore, #tpu.memory_space<semaphore_mem>>) src(%arg5 : memref<5120xf32, #tpu.memory_space<vmem>>) dst(%dma_wait3A_21 : memref<5120xf32, #tpu.memory_space<hbm>>)
      tpu.yield
    }) : () -> ()
    return
  }
}

module attributes {stable_mosaic.version = 14 : i64} {
  func.func @_softmax_body(%arg0: memref<16384x10xf32, #tpu.memory_space<hbm>>, %arg1: memref<16384x10xf32, #tpu.memory_space<hbm>>, %arg2: memref<16384x10xf32, #tpu.memory_space<vmem>>, %arg3: memref<2x1024x10xf32, #tpu.memory_space<vmem>>, %arg4: memref<2x1024x10xf32, #tpu.memory_space<vmem>>, %arg5: memref<2x!tpu.dma_semaphore, #tpu.memory_space<semaphore_mem>>, %arg6: memref<2x!tpu.dma_semaphore, #tpu.memory_space<semaphore_mem>>) attributes {dimension_semantics = [], scalar_prefetch = 0 : i64, scratch_operands = 5 : i64, tpu.core_type = #tpu.core_type<tc>} {
    %dma_start3A = arith.constant 0 : i32
    %dma_start3A_0 = arith.constant 0 : i32
    %dma_start3A_1 = tpu.memref_slice %arg5[%dma_start3A_0] : memref<2x!tpu.dma_semaphore, #tpu.memory_space<semaphore_mem>> -> memref<1x!tpu.dma_semaphore, #tpu.memory_space<semaphore_mem>>
    %dma_start3A_2 = tpu.memref_squeeze %dma_start3A_1 : memref<1x!tpu.dma_semaphore, #tpu.memory_space<semaphore_mem>> -> memref<!tpu.dma_semaphore, #tpu.memory_space<semaphore_mem>>
    %dma_start3A_3 = arith.constant 0 : i32
    %dma_start3A_4 = arith.constant 0 : i32
    %dma_start3A_5 = tpu.memref_slice %arg3[%dma_start3A, %dma_start3A_3, %dma_start3A_4] : memref<2x1024x10xf32, #tpu.memory_space<vmem>> -> memref<1x1024x10xf32, #tpu.memory_space<vmem>>
    %dma_start3A_6 = tpu.memref_squeeze %dma_start3A_5 : memref<1x1024x10xf32, #tpu.memory_space<vmem>> -> memref<1024x10xf32, #tpu.memory_space<vmem>>
    %dma_start3A_7 = arith.constant 0 : i32
    %dma_start3A_8 = arith.constant 0 : i32
    %dma_start3A_9 = tpu.memref_slice %arg0[%dma_start3A_7, %dma_start3A_8] : memref<16384x10xf32, #tpu.memory_space<hbm>> -> memref<1024x10xf32, #tpu.memory_space<hbm>>
    tpu.enqueue_dma source(%dma_start3A_9 : memref<1024x10xf32, #tpu.memory_space<hbm>>) target(%dma_start3A_6 : memref<1024x10xf32, #tpu.memory_space<vmem>>) target_semaphore(%dma_start3A_2 : memref<!tpu.dma_semaphore, #tpu.memory_space<semaphore_mem>>)
    %dma_start3A_10 = arith.constant 1 : i32
    %dma_start3A_11 = arith.constant 1 : i32
    %dma_start3A_12 = tpu.memref_slice %arg5[%dma_start3A_11] : memref<2x!tpu.dma_semaphore, #tpu.memory_space<semaphore_mem>> -> memref<1x!tpu.dma_semaphore, #tpu.memory_space<semaphore_mem>>
    %dma_start3A_13 = tpu.memref_squeeze %dma_start3A_12 : memref<1x!tpu.dma_semaphore, #tpu.memory_space<semaphore_mem>> -> memref<!tpu.dma_semaphore, #tpu.memory_space<semaphore_mem>>
    %dma_start3A_14 = arith.constant 0 : i32
    %dma_start3A_15 = arith.constant 0 : i32
    %dma_start3A_16 = tpu.memref_slice %arg3[%dma_start3A_10, %dma_start3A_14, %dma_start3A_15] : memref<2x1024x10xf32, #tpu.memory_space<vmem>> -> memref<1x1024x10xf32, #tpu.memory_space<vmem>>
    %dma_start3A_17 = tpu.memref_squeeze %dma_start3A_16 : memref<1x1024x10xf32, #tpu.memory_space<vmem>> -> memref<1024x10xf32, #tpu.memory_space<vmem>>
    %dma_start3A_18 = arith.constant 1024 : i32
    %dma_start3A_19 = arith.constant 0 : i32
    %dma_start3A_20 = tpu.memref_slice %arg0[%dma_start3A_18, %dma_start3A_19] : memref<16384x10xf32, #tpu.memory_space<hbm>> -> memref<1024x10xf32, #tpu.memory_space<hbm>>
    tpu.enqueue_dma source(%dma_start3A_20 : memref<1024x10xf32, #tpu.memory_space<hbm>>) target(%dma_start3A_17 : memref<1024x10xf32, #tpu.memory_space<vmem>>) target_semaphore(%dma_start3A_13 : memref<!tpu.dma_semaphore, #tpu.memory_space<semaphore_mem>>)
    %scan3A = arith.constant 0.000000e+00 : f32
    %scan3A_21 = arith.constant 0 : i32
    %scan3A_22 = arith.constant 16 : i32
    %scan3A_23 = arith.addi %scan3A_21, %scan3A_22 : i32
    %scan3A_24 = arith.constant 1 : i32
    %scan3A_25 = scf.for %scan3A_54 = %scan3A_21 to %scan3A_23 step %scan3A_24 iter_args(%scan3A_55 = %scan3A) -> (f32)  : i32 {
      %rem3A = arith.constant 2 : i32
      %rem3A_56 = arith.remsi %scan3A_54, %rem3A : i32
      %mul3A = arith.constant 1024 : i32
      %mul3A_57 = arith.muli %scan3A_54, %mul3A : i32
      %dma_wait3A_58 = tpu.memref_slice %arg5[%rem3A_56] : memref<2x!tpu.dma_semaphore, #tpu.memory_space<semaphore_mem>> -> memref<1x!tpu.dma_semaphore, #tpu.memory_space<semaphore_mem>>
      %dma_wait3A_59 = tpu.memref_squeeze %dma_wait3A_58 : memref<1x!tpu.dma_semaphore, #tpu.memory_space<semaphore_mem>> -> memref<!tpu.dma_semaphore, #tpu.memory_space<semaphore_mem>>
      %dma_wait3A_60 = arith.constant 0 : i32
      %dma_wait3A_61 = arith.constant 0 : i32
      %dma_wait3A_62 = tpu.memref_slice %arg3[%rem3A_56, %dma_wait3A_60, %dma_wait3A_61] : memref<2x1024x10xf32, #tpu.memory_space<vmem>> -> memref<1x1024x10xf32, #tpu.memory_space<vmem>>
      %dma_wait3A_63 = tpu.memref_squeeze %dma_wait3A_62 : memref<1x1024x10xf32, #tpu.memory_space<vmem>> -> memref<1024x10xf32, #tpu.memory_space<vmem>>
      %dma_wait3A_64 = arith.constant 0 : i32
      %dma_wait3A_65 = tpu.memref_slice %arg0[%mul3A_57, %dma_wait3A_64] : memref<16384x10xf32, #tpu.memory_space<hbm>> -> memref<1024x10xf32, #tpu.memory_space<hbm>>
      tpu.wait_dma2 semaphore(%dma_wait3A_59 : memref<!tpu.dma_semaphore, #tpu.memory_space<semaphore_mem>>) src(%dma_wait3A_65 : memref<1024x10xf32, #tpu.memory_space<hbm>>) dst(%dma_wait3A_63 : memref<1024x10xf32, #tpu.memory_space<vmem>>)
      %get3A = arith.index_cast %rem3A_56 : i32 to index
      %get3A_66 = arith.constant 0 : index
      %get3A_67 = arith.constant 0 : index
      %get3A_68 = vector.load %arg3[%get3A, %get3A_66, %get3A_67] : memref<2x1024x10xf32, #tpu.memory_space<vmem>>, vector<1x1024x10xf32>
      %get3A_69 = vector.shape_cast %get3A_68 : vector<1x1024x10xf32> to vector<1024x10xf32>
      %exp3A = math.exp %get3A_69 : vector<1024x10xf32>
      %mul3A_70 = arith.constant 1024 : i32
      %mul3A_71 = arith.muli %scan3A_54, %mul3A_70 : i32
      %swap3A = arith.index_cast %mul3A_71 : i32 to index
      %swap3A_72 = arith.constant 0 : index
      %swap3A_73 = vector.load %arg2[%swap3A, %swap3A_72] : memref<16384x10xf32, #tpu.memory_space<vmem>>, vector<1024x10xf32>
      tpu.vector_store %arg2[%swap3A, %swap3A_72], %exp3A {strides = array<i32>} : memref<16384x10xf32, #tpu.memory_space<vmem>>, vector<1024x10xf32>,
      %add3A = arith.constant 2 : i32
      %add3A_74 = arith.addi %scan3A_54, %add3A : i32
      %lt3A = arith.constant 16 : i32
      %lt3A_75 = arith.cmpi slt, %add3A_74, %lt3A : i32
      %convert_element_type3A = arith.extui %lt3A_75 : i1 to i32
      %cond3A = arith.constant 0 : i32
      %cond3A_76 = arith.cmpi ne, %convert_element_type3A, %cond3A : i32
      scf.if %cond3A_76 {
        %add3A_82 = arith.constant 2 : i32
        %add3A_83 = arith.addi %scan3A_54, %add3A_82 : i32
        %mul3A_84 = arith.constant 1024 : i32
        %mul3A_85 = arith.muli %add3A_83, %mul3A_84 : i32
        %dma_start3A_86 = tpu.memref_slice %arg5[%rem3A_56] : memref<2x!tpu.dma_semaphore, #tpu.memory_space<semaphore_mem>> -> memref<1x!tpu.dma_semaphore, #tpu.memory_space<semaphore_mem>>
        %dma_start3A_87 = tpu.memref_squeeze %dma_start3A_86 : memref<1x!tpu.dma_semaphore, #tpu.memory_space<semaphore_mem>> -> memref<!tpu.dma_semaphore, #tpu.memory_space<semaphore_mem>>
        %dma_start3A_88 = arith.constant 0 : i32
        %dma_start3A_89 = arith.constant 0 : i32
        %dma_start3A_90 = tpu.memref_slice %arg3[%rem3A_56, %dma_start3A_88, %dma_start3A_89] : memref<2x1024x10xf32, #tpu.memory_space<vmem>> -> memref<1x1024x10xf32, #tpu.memory_space<vmem>>
        %dma_start3A_91 = tpu.memref_squeeze %dma_start3A_90 : memref<1x1024x10xf32, #tpu.memory_space<vmem>> -> memref<1024x10xf32, #tpu.memory_space<vmem>>
        %dma_start3A_92 = arith.constant 0 : i32
        %dma_start3A_93 = tpu.memref_slice %arg0[%mul3A_85, %dma_start3A_92] : memref<16384x10xf32, #tpu.memory_space<hbm>> -> memref<1024x10xf32, #tpu.memory_space<hbm>>
        tpu.enqueue_dma source(%dma_start3A_93 : memref<1024x10xf32, #tpu.memory_space<hbm>>) target(%dma_start3A_91 : memref<1024x10xf32, #tpu.memory_space<vmem>>) target_semaphore(%dma_start3A_87 : memref<!tpu.dma_semaphore, #tpu.memory_space<semaphore_mem>>)
      } else {
      }
      %reduce_sum3A = vector.shape_cast %exp3A : vector<1024x10xf32> to vector<1x1024x10xf32>
      %reduce_sum3A_77 = arith.constant dense<0.000000e+00> : vector<1xf32>
      %reduce_sum3A_78 = vector.multi_reduction <add>, %reduce_sum3A, %reduce_sum3A_77 [1, 2] : vector<1x1024x10xf32> to vector<1xf32>
      %reduce_sum3A_79 = vector.shape_cast %reduce_sum3A_78 : vector<1xf32> to vector<1x1x1xf32>
      %reduce_sum3A_80 = vector.extract %reduce_sum3A_79[0, 0, 0] : f32 from vector<1x1x1xf32>
      %add3A_81 = arith.addf %scan3A_55, %reduce_sum3A_80 : f32
      scf.yield %add3A_81 : f32
    }
    %scan3A_26 = arith.constant 16 : i32
    %div3A = arith.constant 1.000000e+00 : f32
    %div3A_27 = arith.divf %div3A, %scan3A_25 : f32
    %scan3A_28 = arith.constant 0 : i32
    %scan3A_29 = arith.constant 16 : i32
    %scan3A_30 = arith.addi %scan3A_28, %scan3A_29 : i32
    %scan3A_31 = arith.constant 1 : i32
    scf.for %scan3A_54 = %scan3A_28 to %scan3A_30 step %scan3A_31  : i32 {
      %rem3A = arith.constant 2 : i32
      %rem3A_55 = arith.remsi %scan3A_54, %rem3A : i32
      %ge3A = arith.constant 2 : i32
      %ge3A_56 = arith.cmpi sge, %scan3A_54, %ge3A : i32
      %convert_element_type3A = arith.extui %ge3A_56 : i1 to i32
      %cond3A = arith.constant 0 : i32
      %cond3A_57 = arith.cmpi ne, %convert_element_type3A, %cond3A : i32
      scf.if %cond3A_57 {
        %sub3A = arith.constant 2 : i32
        %sub3A_78 = arith.subi %scan3A_54, %sub3A : i32
        %mul3A_79 = arith.constant 1024 : i32
        %mul3A_80 = arith.muli %sub3A_78, %mul3A_79 : i32
        %dma_wait3A_81 = tpu.memref_slice %arg6[%rem3A_55] : memref<2x!tpu.dma_semaphore, #tpu.memory_space<semaphore_mem>> -> memref<1x!tpu.dma_semaphore, #tpu.memory_space<semaphore_mem>>
        %dma_wait3A_82 = tpu.memref_squeeze %dma_wait3A_81 : memref<1x!tpu.dma_semaphore, #tpu.memory_space<semaphore_mem>> -> memref<!tpu.dma_semaphore, #tpu.memory_space<semaphore_mem>>
        %dma_wait3A_83 = arith.constant 0 : i32
        %dma_wait3A_84 = tpu.memref_slice %arg1[%mul3A_80, %dma_wait3A_83] : memref<16384x10xf32, #tpu.memory_space<hbm>> -> memref<1024x10xf32, #tpu.memory_space<hbm>>
        %dma_wait3A_85 = arith.constant 0 : i32
        %dma_wait3A_86 = arith.constant 0 : i32
        %dma_wait3A_87 = tpu.memref_slice %arg4[%rem3A_55, %dma_wait3A_85, %dma_wait3A_86] : memref<2x1024x10xf32, #tpu.memory_space<vmem>> -> memref<1x1024x10xf32, #tpu.memory_space<vmem>>
        %dma_wait3A_88 = tpu.memref_squeeze %dma_wait3A_87 : memref<1x1024x10xf32, #tpu.memory_space<vmem>> -> memref<1024x10xf32, #tpu.memory_space<vmem>>
        tpu.wait_dma2 semaphore(%dma_wait3A_82 : memref<!tpu.dma_semaphore, #tpu.memory_space<semaphore_mem>>) src(%dma_wait3A_88 : memref<1024x10xf32, #tpu.memory_space<vmem>>) dst(%dma_wait3A_84 : memref<1024x10xf32, #tpu.memory_space<hbm>>)
      } else {
      }
      %mul3A = arith.constant 1024 : i32
      %mul3A_58 = arith.muli %scan3A_54, %mul3A : i32
      %get3A = arith.index_cast %mul3A_58 : i32 to index
      %get3A_59 = arith.constant 0 : index
      %get3A_60 = vector.load %arg2[%get3A, %get3A_59] : memref<16384x10xf32, #tpu.memory_space<vmem>>, vector<1024x10xf32>
      %mul3A_61 = vector.broadcast %div3A_27 : f32 to vector<1024x10xf32>
      %mul3A_62 = arith.mulf %get3A_60, %mul3A_61 : vector<1024x10xf32>
      %swap3A = arith.index_cast %rem3A_55 : i32 to index
      %swap3A_63 = arith.constant 0 : index
      %swap3A_64 = arith.constant 0 : index
      %swap3A_65 = vector.load %arg4[%swap3A, %swap3A_63, %swap3A_64] : memref<2x1024x10xf32, #tpu.memory_space<vmem>>, vector<1x1024x10xf32>
      %swap3A_66 = vector.shape_cast %swap3A_65 : vector<1x1024x10xf32> to vector<1024x10xf32>
      %swap3A_67 = vector.shape_cast %mul3A_62 : vector<1024x10xf32> to vector<1x1024x10xf32>
      tpu.vector_store %arg4[%swap3A, %swap3A_63, %swap3A_64], %swap3A_67 {strides = array<i32>} : memref<2x1024x10xf32, #tpu.memory_space<vmem>>, vector<1x1024x10xf32>,
      %mul3A_68 = arith.constant 1024 : i32
      %mul3A_69 = arith.muli %scan3A_54, %mul3A_68 : i32
      %dma_start3A_70 = tpu.memref_slice %arg6[%rem3A_55] : memref<2x!tpu.dma_semaphore, #tpu.memory_space<semaphore_mem>> -> memref<1x!tpu.dma_semaphore, #tpu.memory_space<semaphore_mem>>
      %dma_start3A_71 = tpu.memref_squeeze %dma_start3A_70 : memref<1x!tpu.dma_semaphore, #tpu.memory_space<semaphore_mem>> -> memref<!tpu.dma_semaphore, #tpu.memory_space<semaphore_mem>>
      %dma_start3A_72 = arith.constant 0 : i32
      %dma_start3A_73 = tpu.memref_slice %arg1[%mul3A_69, %dma_start3A_72] : memref<16384x10xf32, #tpu.memory_space<hbm>> -> memref<1024x10xf32, #tpu.memory_space<hbm>>
      %dma_start3A_74 = arith.constant 0 : i32
      %dma_start3A_75 = arith.constant 0 : i32
      %dma_start3A_76 = tpu.memref_slice %arg4[%rem3A_55, %dma_start3A_74, %dma_start3A_75] : memref<2x1024x10xf32, #tpu.memory_space<vmem>> -> memref<1x1024x10xf32, #tpu.memory_space<vmem>>
      %dma_start3A_77 = tpu.memref_squeeze %dma_start3A_76 : memref<1x1024x10xf32, #tpu.memory_space<vmem>> -> memref<1024x10xf32, #tpu.memory_space<vmem>>
      tpu.enqueue_dma source(%dma_start3A_77 : memref<1024x10xf32, #tpu.memory_space<vmem>>) target(%dma_start3A_73 : memref<1024x10xf32, #tpu.memory_space<hbm>>) target_semaphore(%dma_start3A_71 : memref<!tpu.dma_semaphore, #tpu.memory_space<semaphore_mem>>)
    }
    %scan3A_32 = arith.constant 16 : i32
    %dma_wait3A = arith.constant 0 : i32
    %dma_wait3A_33 = arith.constant 0 : i32
    %dma_wait3A_34 = tpu.memref_slice %arg6[%dma_wait3A_33] : memref<2x!tpu.dma_semaphore, #tpu.memory_space<semaphore_mem>> -> memref<1x!tpu.dma_semaphore, #tpu.memory_space<semaphore_mem>>
    %dma_wait3A_35 = tpu.memref_squeeze %dma_wait3A_34 : memref<1x!tpu.dma_semaphore, #tpu.memory_space<semaphore_mem>> -> memref<!tpu.dma_semaphore, #tpu.memory_space<semaphore_mem>>
    %dma_wait3A_36 = arith.constant 14336 : i32
    %dma_wait3A_37 = arith.constant 0 : i32
    %dma_wait3A_38 = tpu.memref_slice %arg1[%dma_wait3A_36, %dma_wait3A_37] : memref<16384x10xf32, #tpu.memory_space<hbm>> -> memref<1024x10xf32, #tpu.memory_space<hbm>>
    %dma_wait3A_39 = arith.constant 0 : i32
    %dma_wait3A_40 = arith.constant 0 : i32
    %dma_wait3A_41 = tpu.memref_slice %arg4[%dma_wait3A, %dma_wait3A_39, %dma_wait3A_40] : memref<2x1024x10xf32, #tpu.memory_space<vmem>> -> memref<1x1024x10xf32, #tpu.memory_space<vmem>>
    %dma_wait3A_42 = tpu.memref_squeeze %dma_wait3A_41 : memref<1x1024x10xf32, #tpu.memory_space<vmem>> -> memref<1024x10xf32, #tpu.memory_space<vmem>>
    tpu.wait_dma2 semaphore(%dma_wait3A_35 : memref<!tpu.dma_semaphore, #tpu.memory_space<semaphore_mem>>) src(%dma_wait3A_42 : memref<1024x10xf32, #tpu.memory_space<vmem>>) dst(%dma_wait3A_38 : memref<1024x10xf32, #tpu.memory_space<hbm>>)
    %dma_wait3A_43 = arith.constant 1 : i32
    %dma_wait3A_44 = arith.constant 1 : i32
    %dma_wait3A_45 = tpu.memref_slice %arg6[%dma_wait3A_44] : memref<2x!tpu.dma_semaphore, #tpu.memory_space<semaphore_mem>> -> memref<1x!tpu.dma_semaphore, #tpu.memory_space<semaphore_mem>>
    %dma_wait3A_46 = tpu.memref_squeeze %dma_wait3A_45 : memref<1x!tpu.dma_semaphore, #tpu.memory_space<semaphore_mem>> -> memref<!tpu.dma_semaphore, #tpu.memory_space<semaphore_mem>>
    %dma_wait3A_47 = arith.constant 15360 : i32
    %dma_wait3A_48 = arith.constant 0 : i32
    %dma_wait3A_49 = tpu.memref_slice %arg1[%dma_wait3A_47, %dma_wait3A_48] : memref<16384x10xf32, #tpu.memory_space<hbm>> -> memref<1024x10xf32, #tpu.memory_space<hbm>>
    %dma_wait3A_50 = arith.constant 0 : i32
    %dma_wait3A_51 = arith.constant 0 : i32
    %dma_wait3A_52 = tpu.memref_slice %arg4[%dma_wait3A_43, %dma_wait3A_50, %dma_wait3A_51] : memref<2x1024x10xf32, #tpu.memory_space<vmem>> -> memref<1x1024x10xf32, #tpu.memory_space<vmem>>
    %dma_wait3A_53 = tpu.memref_squeeze %dma_wait3A_52 : memref<1x1024x10xf32, #tpu.memory_space<vmem>> -> memref<1024x10xf32, #tpu.memory_space<vmem>>
    tpu.wait_dma2 semaphore(%dma_wait3A_46 : memref<!tpu.dma_semaphore, #tpu.memory_space<semaphore_mem>>) src(%dma_wait3A_53 : memref<1024x10xf32, #tpu.memory_space<vmem>>) dst(%dma_wait3A_49 : memref<1024x10xf32, #tpu.memory_space<hbm>>)
    return
  }
}

</mosaic_0001>

<sc_bundles>
// kernel: kernel.4.cloned.1.call-start
scs
__scs_entry_jumppad:
0x0: {  	(pc) =	sbr.rel $0x88, $3  }
0x1: {  	(tag) =	ssettag $0x0;
	lr =	simm.s32 $0x1  }
0x2: {  	[smem:$0x3F9F] =	sst lr;
	_ =	strace $0xD0000000  }
0x3: {  	_ = 	snop  }
0x4: {  	_ = 	snop  }
0x5: {  	_ = 	snop  }
0x6: {  	_ = 	snop  }
0x7: {  	_ = 	snop  }
__scs_overlays_trampoline_lowered:
0x8: {  	[smem:$0x3FAE] =	sst s0  }
0x9: {  	[smem:$0x3FAF] =	sst s1  }
0xa: {  	[smem:$0x3FB0] =	sst s2  }
0xb: {  	[smem:$0x3FB1] =	sst s3  }
0xc: {  	[smem:$0x3FB2] =	sst s4  }
0xd: {  	[smem:$0x3FB3] =	sst s5  }
0xe: {  	[smem:$0x3FB4] =	sst s6  }
0xf: {  	[smem:$0x3FB5] =	sst s7  }
0x10: {  	[smem:$0x3FB6] =	sst s8  }
0x11: {  	[smem:$0x3FB7] =	sst s9;
	s0 =	simm.s32 @!p0 $0x0  }
0x12: {  	s1 =	sld [smem:$0x3F9D];
	s0 =	simm.s32 @p0 $0x1  }
0x13: {  	[smem:$0x3FB8] =	sst s0;
	s0 =	simm.s32 @!p1 $0x0  }
0x14: {  	s2 =	sld [smem:$0x3F9C];
	s0 =	simm.s32 @p1 $0x1  }
0x15: {  	[smem:$0x3FB9] =	sst s0;
	s0 =	simm.s32 @!p2 $0x0  }
0x16: {  	s3 =	sld [smem:$0x3FDB];
	s0 =	simm.s32 @p2 $0x1  }
0x17: {  	s4 =	simm.s32 $0x1BF5;
	[smem:$0x3FBB] =	sst s0  }
0x18: {  	s0 =	sld [smem:$0x3F9E];
	_ =	swait.ge [sflag:s4], $0x0  }
0x19: {  	s7 =	sld [smem:$0x3F9F]  }
0x1a: {  	s8 =	sadd.s32 $0xFFFFE003, lr  }
0x1b: {  	s9 =	sadd.s32 $0xFFFFFEF7, lr;
	s5 =	simm.s32 $0xFFFFFFFF;
	p2 =	slt.u32 s8, $0xFFFFF086  }
0x1c: {  	p1 =	slt.u32 s9, $0xF7A;
	s5 =	simm.s32 @!p2 $0x0  }
0x1d: {  	s5 =	simm.s32 @p1 $0x1;
	p0 =	seq.s32 s7, s2  }
0x1e: {  	s7 =	smul.u32 @!p0 $0xF7A, s2;
	p2 =	seq.s32 @!p0 s5, $0x0  }
0x1f: {  	s9 =	smul.u32 $0xF7A, s1;
	s8 =	simm.s32 @!p0 $0x1BF5;
	p2 =	por !p2, p0  }
0x20: {  	[sflag:s8] =	ssyncset.s32 @!p0 $0xFFFFF086;
	s6 =	sadd.s32 @!p0 s3, s7;
	s7 =	simm.s32 @!p0 $0x108  }
0x21: {  	s3 =	sadd.s32 s3, s9;
	s6 =	sadd.s32 @!p0 $0x88, s6;
	s7 =	simm.s32 @p2 $0x1082  }
0x22: {  	[simem:s7], [sflag:s8] =	dma.local @!p0 [hbm:s6], $0xF7A  }
0x23: {  	s9 =	sor.u32 $0xD0000000, s2;
	s6 =	simm.s32 $0x108;
	_ =	swait.ge @!p0 [sflag:s8], $0x0  }
0x24: {  	s3 =	sadd.s32 $0x88, s3;
	s6 =	simm.s32 @!p1 $0x1082;
	[sflag:s4] =	ssyncset.s32 $0xFFFFF086  }
0x25: {  	[simem:s6], [sflag:s4] =	dma.local [hbm:s3], $0xF7A  }
0x26: {  	[smem:$0x3F9F] =	sst s1;
	(tag) =	ssettag s2;
	_ =	strace s9  }
0x27: {  	s1 =	sld [smem:$0x3FAF]  }
0x28: {  	s2 =	sld [smem:$0x3FB0]  }
0x29: {  	s4 =	sld [smem:$0x3FB2]  }
0x2a: {  	p0 =	seq.s32 s5, $0x0;
	s5 =	sld [smem:$0x3FB3]  }
0x2b: {  	s6 =	sld [smem:$0x3FB4]  }
0x2c: {  	s7 =	sld [smem:$0x3FB5]  }
0x2d: {  	s3 =	simm.s32 $0x108;
	s8 =	sld [smem:$0x3FB6]  }
0x2e: {  	s3 =	simm.s32 @!p0 $0x1082;
	s9 =	sld [smem:$0x3FB7]  }
0x2f: {  	lr =	sadd.s32 s0, s3;
	s0 =	sld [smem:$0x3FAE]  }
0x30: {  	s3 =	sld [smem:$0x3FB1]  }
0x31: {  	[smem:$0x3FBA] =	sst s10  }
0x32: {  	s10 =	sld [smem:$0x3FB8];
	_ =	sdelay $0x3  }
0x33: {  	p0 =	seq.s32 s10, $0x1;
	s10 =	sld [smem:$0x3FBA];
	_ =	sdelay $0x3  }
0x34: {  	[smem:$0x3FBA] =	sst s10  }
0x35: {  	s10 =	sld [smem:$0x3FB9];
	_ =	sdelay $0x3  }
0x36: {  	p1 =	seq.s32 s10, $0x1;
	s10 =	sld [smem:$0x3FBA];
	_ =	sdelay $0x3  }
0x37: {  	[smem:$0x3FBA] =	sst s10  }
0x38: {  	s10 =	sld [smem:$0x3FBB]  }
0x39: {  	_ = 	snop;
	(pc) =	sbr.ind lr, $3  }
0x3a: {  	_ = 	snop  }
0x3b: {  	_ = 	snop  }
0x3c: {  	p2 =	seq.s32 s10, $0x1;
	s10 =	sld [smem:$0x3FBA]  }
0x3d: {  	_ =	shalt  }
0x3e: {  	_ =	shalt  }
0x3f: {  	_ =	shalt  }
0x40: {  	_ =	shalt  }
0x41: {  	_ =	shalt  }
0x42: {  	_ =	shalt  }
0x43: {  	_ =	shalt  }
0x44: {  	_ =	shalt  }
0x45: {  	_ =	shalt  }
0x46: {  	_ =	shalt  }
0x47: {  	_ =	shalt  }
0x48: {  	_ =	shalt  }
0x49: {  	_ =	shalt  }
0x4a: {  	_ =	shalt  }
0x4b: {  	_ =	shalt  }
0x4c: {  	_ =	shalt  }
0x4d: {  	_ =	shalt  }
0x4e: {  	_ =	shalt  }
0x4f: {  	_ =	shalt  }
0x50: {  	_ =	shalt  }
0x51: {  	_ =	shalt  }
0x52: {  	_ =	shalt  }
0x53: {  	_ =	shalt  }
0x54: {  	_ =	shalt  }
0x55: {  	_ =	shalt  }
0x56: {  	_ =	shalt  }
0x57: {  	_ =	shalt  }
0x58: {  	_ =	shalt  }
0x59: {  	_ =	shalt  }
0x5a: {  	_ =	shalt  }
0x5b: {  	_ =	shalt  }
0x5c: {  	_ =	shalt  }
0x5d: {  	_ =	shalt  }
0x5e: {  	_ =	shalt  }
0x5f: {  	_ =	shalt  }
0x60: {  	_ =	shalt  }
0x61: {  	_ =	shalt  }
0x62: {  	_ =	shalt  }
0x63: {  	_ =	shalt  }
0x64: {  	_ =	shalt  }
0x65: {  	_ =	shalt  }
0x66: {  	_ =	shalt  }
0x67: {  	_ =	shalt  }
0x68: {  	_ =	shalt  }
0x69: {  	_ =	shalt  }
0x6a: {  	_ =	shalt  }
0x6b: {  	_ =	shalt  }
0x6c: {  	_ =	shalt  }
0x6d: {  	_ =	shalt  }
0x6e: {  	_ =	shalt  }
0x6f: {  	_ =	shalt  }
0x70: {  	_ =	shalt  }
0x71: {  	_ =	shalt  }
0x72: {  	_ =	shalt  }
0x73: {  	_ =	shalt  }
0x74: {  	_ =	shalt  }
0x75: {  	_ =	shalt  }
0x76: {  	_ =	shalt  }
0x77: {  	_ =	shalt  }
0x78: {  	_ =	shalt  }
0x79: {  	_ =	shalt  }
0x7a: {  	_ =	shalt  }
0x7b: {  	_ =	shalt  }
0x7c: {  	_ =	shalt  }
0x7d: {  	_ =	shalt  }
0x7e: {  	_ =	shalt  }
0x7f: {  	_ =	shalt  }
0x80: {  	_ =	shalt  }
0x81: {  	_ =	shalt  }
0x82: {  	_ =	shalt  }
0x83: {  	_ =	shalt  }
0x84: {  	_ =	shalt  }
0x85: {  	_ =	shalt  }
0x86: {  	_ =	shalt  }
0x87: {  	_ =	shalt  }
.Lfunc_end0:
.L_simem_size_0:
called_computation_lowered:
.L_overlay_start_0:
0x88: {  	s2 =	sld [smem:$0x3FD9]  }
0x89: {  	s3 =	sld [smem:$0x3FFE];
	_ =	sdelay $0x1  }
0x8a: {  	s1 =	srdreg.scid  }
0x8b: {  	s0 =	sand.u32 $0x1, s1  }
0x8c: {  	s15 =	sshll.u32 s0, $0xA;
	s2 =	sadd.s32 s3, s2  }
0x8d: {  	s2 =	sadd.s32 s2, s15  }
0x8e: {  	[smem:$0x3FC6] =	sst s2  }
0x8f: {  	_ = 	snop  }
0x90: {  	s2 =	sld [smem:$0x3FD0];
	_ =	sdelay $0x2  }
0x91: {  	s4 =	simm.s32 $0xA;
	s5 =	simm.s32 $0x10;
	s16 =	sld [smem:$0x3FC8]  }
0x92: {  	[smem:s5], [sflag:s4] =	dma.local [hbm:s2], $0x1  }
0x93: {  	_ =	swait.eq [sflag:s4], $0x1  }
0x94: {  	[sflag:s4] =	ssyncset.done $0x0  }
0x95: {  	[sflag:s4] =	ssyncadd.s32 $0xFFFFFFFF  }
0x96: {  	s17 =	sld [smem:$0x11];
	(tm) =	ssettm $0x1  }
0x97: {  	s18 =	sld [smem:$0x3FFB];
	_ =	sdelay $0x3  }
0x98: {  	_ =	strace s18  }
0x99: {  	s4 =	sld [smem:$0x3FFC];
	_ =	sdelay $0x3  }
0x9a: {  	_ =	strace s4  }
0x9b: {  	s4 =	sld [smem:$0x3FFD];
	_ =	sdelay $0x3  }
0x9c: {  	_ =	strace s4  }
0x9d: {  	_ =	strace $0x8FFFFFFF  }
0x9e: {  	s19 =	sld [smem:$0x3FDB];
	_ =	sdelay $0x1  }
0x9f: {  	s20 =	simm.s32 $_scs_section_size  }
0xa0: {  	s6 =	simm.s32 $_size__tile_overlayer_lowered;
	s7 =	simm.s32 $_tile_overlayer_lowered  }
0xa1: {  	s23 =	simm.s32 $0x1BFF;
	s22 =	sshll.u32 s7, $0x1;
	s4 =	sadd.s32 s20, s19  }
0xa2: {  	s8 =	simm.s32 $0x0;
	s21 =	sshll.u32 s6, $0x1;
	s6 =	sadd.s32 s22, s4  }
0xa3: {  	[timem:s8], [sflag:s23] =	dma.local [hbm:s6], s21  }
0xa4: {  	_ =	swait.ge [sflag:s23], s21  }
0xa5: {  	s5 =	ssub.s32 $0x0, s21;
	[sflag:s23] =	ssyncset.done $0x0  }
0xa6: {  	[sflag:s23] =	ssyncadd.s32 s5;
	_ =	sdelay $0x1  }
0xa7: {  	s24 =	simm.s32 $0x1B8B  }
0xa8: {  	_ =	swait.ge [sflag:s24], $0x1  }
0xa9: {  	[sflag:s24] =	ssyncset.done $0x0  }
0xaa: {  	s25 =	simm.s32 $0x1B8E;
	[sflag:s24] =	ssyncadd.s32 $0xFFFFFFFF  }
0xab: {  	s26 =	simm.s32 $execute0_lowered;
	[smem:$0x3FD2] =	sst s25  }
0xac: {  	s5 =	sshll.u32 s26, $0x1;
	_ =	strace $0x80000046;
	[dreg:$0x1] =	wrdreg $0xFFFFFFFF  }
0xad: {  	s28 =	simm.s32 $_size_execute0_lowered;
	s4 =	sadd.s32 s4, s5;
	[dreg:$0x0] =	wrdreg $0x0  }
0xae: {  	s5 =	sshll.u32 s28, $0x1;
	[dreg:$0x2] =	wrdreg s4  }
0xaf: {  	[dreg:$0x3] =	wrdreg s5  }
0xb0: {  	[dreg:$0x4] =	wrdreg $0xC0  }
0xb1: {  	_ =	task [dreg:s8], $0x5FFFF  }
0xb2: {  	[dreg:$0x1] =	wrdreg $0xFFFFFFFF  }
0xb3: {  	[dreg:$0x0] =	wrdreg $0x60  }
0xb4: {  	[dreg:$0x2] =	wrdreg s16  }
0xb5: {  	[dreg:$0x3] =	wrdreg s17  }
0xb6: {  	[dreg:$0x4] =	wrdreg $0x9  }
0xb7: {  	_ =	task.clear_ibuf [dreg:s8], $0x5FFFF;
	_ =	strace $0x90000046  }
0xb8: {  	s29 =	simm.s32 $0x9;
	_ =	strace $0x80000048  }
0xb9: {  	_ =	swait.ge [sflag:s29], $0x1  }
0xba: {  	[sflag:s29] =	ssyncadd.s32 $0xFFFFFFFF  }
0xbb: {  	_ =	strace $0x90000048  }
0xbc: {  	_ =	sfence  }
0xbd: {  	s30 =	sld [smem:$0x0];
	_ =	sdelay $0x2  }
0xbe: {  	s31 =	sshll.u32 s1, $0xD;
	s1 =	sshrl.u32 s1, $0x2  }
0xbf: {  	s3 =	sand.u32 $0x4000, s31;
	s1 =	sadd.s32 s1, s30  }
0xc0: {  	s0 =	sor.u32 s3, s0;
	s1 =	sshll.u32 s1, $0x11  }
0xc1: {  	s0 =	sor.u32 s1, s0  }
0xc2: {  	s0 =	sadd.s32 $0x8F2B, s0  }
0xc3: {  	[sflag:s0] =	ssyncadd.remote.s32 $0x1  }
0xc4: {  	_ =	sfence.sel $0xFFFF  }
0xc5: {  	[dreg:$0x0] =	wrdreg $0xFFFFFFFF;
	(pc) =	sbr.abs _section_cstart, $3  }
0xc6: {  	[dreg:$0x1] =	wrdreg $0xFFFFFFFF  }
0xc7: {  	_ =	task.clear_ibuf [dreg:s8], $0x2FFFF;
	_ =	strace $0x9FFFFFFF  }
0xc8: {  	(tm) =	ssettm $0x7FFFFFFF  }
0xc9: {  	_ =	shalt  }
tec
execute0_lowered:
.L_overlay_start_1:
0x0: {  	(tag) =	ssettag $0x1  }
0x1: {  	s3 =	rddreg [dreg:$0x0]  }
0x2: {  	s4 =	rddreg [dreg:$0x1]  }
0x3: {  	s2 =	srdreg.scid;
	s1 =	stileid.u32  }
0x4: {  	s0 =	rddreg [dreg:$0x2];
	s5 =	sand.u32 $0x1, s2;
	s6 =	sshll.u32 s1, $0x1  }
0x5: {  	s2 =	simm.s32 $0x0;
	s7 =	ssub.s32 $0x2, s5;
	s5 =	sor.u32 s5, s6  }
0x6: {  	[smem:$0x7FF] =	sst s2;
	s31 =	sshrl.u32 s7, $0x1;
	s8 =	smul.u32 $0x280, s5  }
0x7: {  	_ =	strace $0x80000047;
	s5 =	sshll.u32 s5, $0x6;
	s6 =	ssub.s32 s7, s31  }
0x8: {  	v1 =	vlaneseq.u32;
	s3 =	sadd.s32 s3, s5;
	s7 =	simm.s32 $0x200;
	s4 =	sadd.s32 s4, s8  }
0x9: {  	v0 =	vimm.f32 $0.0e+00;
	v2 =	vimm.f32 $1.000000000e+00;
	v1 =	vmul.u32 $0xA, v1;
	s5 =	smax.u32 s6, $0x1;
	s6 =	simm.s32 $0x1;
	s8 =	simm.s32 $0x0  }
.LBB2_1:
0xa: {  	[tilespmem:s2], [sflag:$0x1] =	stream.linear.gather [hbm4b:s3+s2], $0x200, $0x38;
	[tilespmem:$0x1600] =	vst v63  }
0xb: {  	_ =	swait.ge [sflag:s6], $0x200  }
0xc: {  	[sflag:s6] =	ssyncset.done $0x0  }
0xd: {  	s9 =	simm.s32 $0x0;
	s10 =	simm.s32 $0x200;
	[sflag:s6] =	ssyncadd.s32 $0xFFFFFE00  }
.LBB2_2:
0xe: {  	p0 =	sne.s32 s10, $0x4E00;
	[tilespmem:s9+$0x270] =	vst v0  }
0xf: {  	[tilespmem:s9+$0x200] =	vst v0  }
0x10: {  	[tilespmem:s9+$0x210] =	vst v0  }
.Ltmp0:
0x11: {  	[tilespmem:s9+$0x220] =	vst v0;
	(pc) =	sbr.rel @p0 .LBB2_2-.Ltmp0, $4  }
0x12: {  	[tilespmem:s9+$0x230] =	vst v0  }
0x13: {  	[tilespmem:s9+$0x240] =	vst v0  }
0x14: {  	[tilespmem:s9+$0x250] =	vst v0  }
0x15: {  	[tilespmem:s9+$0x260] =	vst v0;
	s9 =	sshra.s32 s10, $0x2;
	s10 =	sadd.s32 $0x200, s10  }
0x16: {  	[tilespmem:s9+$0x270] =	vst v0  }
0x17: {  	[tilespmem:s9+$0x200] =	vst v0  }
0x18: {  	[tilespmem:s9+$0x210] =	vst v0  }
0x19: {  	[tilespmem:s9+$0x220] =	vst v0  }
0x1a: {  	[tilespmem:s9+$0x230] =	vst v0  }
0x1b: {  	[tilespmem:s9+$0x240] =	vst v0  }
0x1c: {  	[tilespmem:s9+$0x250] =	vst v0  }
0x1d: {  	[tilespmem:s9+$0x260] =	vst v0;
	s9 =	simm.s32 $0x70;
	s10 =	simm.s32 $0x40  }
.LBB2_4:
0x1e: {  	s11 =	sadd.s32 $0xFFFFFF90, s9  }
0x1f: {  	v4 =	vld [tilespmem:s10+$0xFFFFFFC0];
	v3 =	vmov s11  }
0x20: {  	v3 =	vmul.u32 $0xA, v3;
	_ =	sdelay $0x1  }
0x21: {  	v3 =	vbroadcast v3, $0x0;
	_ =	sdelay $0x1  }
0x22: {  	v3 =	vadd.s32 v3, v4  }
0x23: {  	v3 =	vadd.s32 v1, v3;
	_ =	sdelay $0x4  }
0x24: {  	s25 =	sadd.s32 $0xFFFFFFA0, s9;
	[tilespmem:v3+s7+$0x0] =	vst.idx.msk $0xffff, v2  }
0x25: {  	v3 =	vmov s25;
	v57 =	vld [tilespmem:s10+$0xFFFFFFD0]  }
0x26: {  	v3 =	vmul.u32 $0xA, v3;
	_ =	sdelay $0x1  }
0x27: {  	v3 =	vbroadcast v3, $0x0;
	_ =	sdelay $0x1  }
0x28: {  	v3 =	vadd.s32 v57, v3  }
0x29: {  	v3 =	vadd.s32 v1, v3;
	_ =	sdelay $0x4  }
0x2a: {  	s26 =	sadd.s32 $0xFFFFFFB0, s9;
	[tilespmem:v3+s7+$0x0] =	vst.idx.msk $0xffff, v2  }
0x2b: {  	v3 =	vmov s26;
	v58 =	vld [tilespmem:s10+$0xFFFFFFE0]  }
0x2c: {  	v3 =	vmul.u32 $0xA, v3;
	_ =	sdelay $0x1  }
0x2d: {  	v3 =	vbroadcast v3, $0x0;
	_ =	sdelay $0x1  }
0x2e: {  	v3 =	vadd.s32 v58, v3  }
0x2f: {  	v3 =	vadd.s32 v1, v3;
	_ =	sdelay $0x4  }
0x30: {  	s28 =	sadd.s32 $0xFFFFFFC0, s9;
	[tilespmem:v3+s7+$0x0] =	vst.idx.msk $0xffff, v2  }
0x31: {  	v3 =	vmov s28;
	v59 =	vld [tilespmem:s10+$0xFFFFFFF0]  }
0x32: {  	v3 =	vmul.u32 $0xA, v3;
	_ =	sdelay $0x1  }
0x33: {  	v3 =	vbroadcast v3, $0x0;
	_ =	sdelay $0x1  }
0x34: {  	v3 =	vadd.s32 v59, v3  }
0x35: {  	v3 =	vadd.s32 v1, v3;
	_ =	sdelay $0x4  }
0x36: {  	s29 =	sadd.s32 $0xFFFFFFD0, s9;
	[tilespmem:v3+s7+$0x0] =	vst.idx.msk $0xffff, v2  }
0x37: {  	v3 =	vmov s29;
	v60 =	vld [tilespmem:s10+$0x0]  }
0x38: {  	v3 =	vmul.u32 $0xA, v3;
	_ =	sdelay $0x1  }
0x39: {  	v3 =	vbroadcast v3, $0x0;
	_ =	sdelay $0x1  }
0x3a: {  	v3 =	vadd.s32 v60, v3  }
0x3b: {  	v3 =	vadd.s32 v1, v3;
	_ =	sdelay $0x4  }
0x3c: {  	s30 =	sadd.s32 $0xFFFFFFE0, s9;
	[tilespmem:v3+s7+$0x0] =	vst.idx.msk $0xffff, v2  }
0x3d: {  	v3 =	vmov s30;
	v61 =	vld [tilespmem:s10+$0x10]  }
0x3e: {  	v3 =	vmul.u32 $0xA, v3;
	_ =	sdelay $0x1  }
0x3f: {  	v3 =	vbroadcast v3, $0x0;
	_ =	sdelay $0x1  }
0x40: {  	v3 =	vadd.s32 v61, v3  }
0x41: {  	v3 =	vadd.s32 v1, v3;
	_ =	sdelay $0x4  }
0x42: {  	s31 =	sadd.s32 $0xFFFFFFF0, s9;
	[tilespmem:v3+s7+$0x0] =	vst.idx.msk $0xffff, v2  }
0x43: {  	v3 =	vmov s31;
	v62 =	vld [tilespmem:s10+$0x20]  }
0x44: {  	v3 =	vmul.u32 $0xA, v3;
	_ =	sdelay $0x1  }
0x45: {  	v3 =	vbroadcast v3, $0x0;
	_ =	sdelay $0x1  }
0x46: {  	v3 =	vadd.s32 v62, v3  }
0x47: {  	v3 =	vadd.s32 v1, v3;
	_ =	sdelay $0x4  }
0x48: {  	[tilespmem:v3+s7+$0x0] =	vst.idx.msk $0xffff, v2  }
0x49: {  	v3 =	vmov s9;
	v63 =	vld [tilespmem:s10+$0x30]  }
0x4a: {  	v3 =	vmul.u32 $0xA, v3;
	_ =	sdelay $0x1  }
0x4b: {  	v3 =	vbroadcast v3, $0x0;
	_ =	sdelay $0x1  }
0x4c: {  	v3 =	vadd.s32 v63, v3  }
0x4d: {  	p0 =	sne.s32 s9, $0x1F0;
	v3 =	vadd.s32 v1, v3  }
.Ltmp1:
0x4e: {  	_ = 	snop;
	(pc) =	sbr.rel @p0 .LBB2_4-.Ltmp1, $2  }
0x4f: {  	_ =	sdelay $0x2  }
0x50: {  	s9 =	sadd.s32 $0x80, s9;
	s10 =	sadd.s32 $0x80, s10;
	[tilespmem:v3+s7+$0x0] =	vst.idx.msk $0xffff, v2  }
0x51: {  	s8 =	sadd.s32 $0x1, s8  }
0x52: {  	p0 =	sne.s32 s8, s5  }
.Ltmp2:
0x53: {  	_ = 	snop;
	(pc) =	sbr.rel @p0 .LBB2_1-.Ltmp2, $4  }
0x54: {  	[hbm4b:s4+s2] =	stream.linear.scatter [tilespmem:s7], [sflag:$0x1], $0x1400, $0x38;
	[tilespmem:$0x1600] =	vst v63  }
0x55: {  	_ =	swait.ge [sflag:s6], $0x1400  }
0x56: {  	[sflag:s6] =	ssyncset.done $0x0  }
0x57: {  	[sflag:s6] =	ssyncadd.s32 $0xFFFFEC00  }
0x58: {  	_ =	sfence.sel $0x180000  }
0x59: {  	[bflag:$0x0] =	sbarrier.arrive $0xFFFF  }
0x5a: {  	p0 =	sne.s32 s1, $0x0;
	_ =	strace $0x90000047  }
0x5b: {  	s0 =	sadd.s32 @!p0 $0x100000, s0;
	[bflag:$0x2] =	sbarrier.arrive $0xFFFF  }
0x5c: {  	[sflag:s0] =	ssyncadd.tile.s32 @!p0 $0x1;
	_ =	shalt  }
.Lfunc_end2:
_tile_overlayer_lowered:
.L_overlay_start_2:
0x5d: {  	(tag) =	ssettag $0x2  }
0x5e: {  	s0 =	rddreg [dreg:$0x0];
	s2 =	stileid.u32  }
0x5f: {  	s1 =	rddreg [dreg:$0x1];
	p0 =	sne.s32 s2, $0x0  }
0x60: {  	s3 =	rddreg [dreg:$0x2];
	[bflag:$0x3] =	sbarrier.arrive $0xFFFF;
	s2 =	simm.s32 @!p0 $0x1C01  }
0x61: {  	[timem:s3], [sflag:s2] =	dma.local @!p0 [hbm:s0], s1  }
0x62: {  	s0 =	simm.s32 @!p0 $0x1  }
0x63: {  	_ =	swait.ge @!p0 [sflag:s0], s1  }
0x64: {  	s1 =	ssub.s32 @!p0 $0x0, s1;
	[sflag:s0] =	ssyncset.done @!p0 $0x0  }
0x65: {  	[sflag:s0] =	ssyncadd.s32 @!p0 s1  }
0x66: {  	[bflag:$0x3] =	sbarrier.arrive $0xFFFF  }
0x67: {  	_ =	shalt  }

</sc_bundles>
